<compile_context>
chip_gen: v7x
topology: tpu7x:2x2x1
jax: 0.10.2.dev20260603
libtpu: 0.0.44.dev20260713+nightly
codegen_flags: <defaults>
</compile_context>

<pallas_src>
import functools

import jax
import jax.numpy as jnp
from jax import lax
from jax.experimental import pallas as pl
from jax.experimental.pallas import tpu as pltpu

try:
    from jax.experimental.pallas import tpu_sc as plsc
    _HAS_SC = True
except ImportError:
    plsc = None
    _HAS_SC = False

HIDDEN = 96
EMB = 32
K = 8192
N_TOK = 8192
T_TILE = 2048
K_CHUNK = 1024


def _dist_argmin_body(zf_ref, pw_ref, pb_ref, enorm_ref, embed_ref,
                      ze_out_ref, ind_out_ref):
    zf = zf_ref[...]
    pw = pw_ref[...]
    pb = pb_ref[...]
    ze = lax.dot_general(zf, pw, (((1,), (1,)), ((), ())),
                         preferred_element_type=jnp.float32) + pb
    ze_out_ref[...] = ze

    fnorm = jnp.sum(ze * ze, axis=1, keepdims=True)
    ze2 = ze + ze

    nchunks = K // K_CHUNK

    def _mm(c):
        e = embed_ref[pl.ds(c * K_CHUNK, K_CHUNK), :]
        return lax.dot_general(ze2, e, (((1,), (1,)), ((), ())),
                               preferred_element_type=jnp.float32)

    def _one_chunk(c, best_val, best_idxf):
        dot2 = _mm(c)
        en = enorm_ref[:, pl.ds(c * K_CHUNK, K_CHUNK)]
        dist = (fnorm - dot2) + en
        cmin = jnp.min(dist, axis=1, keepdims=True)
        colf = (lax.broadcasted_iota(jnp.int32, (1, K_CHUNK), 1)
                + c * K_CHUNK).astype(jnp.float32)
        cidxf = jnp.min(jnp.where(dist == cmin, colf, jnp.float32(1e9)),
                        axis=1, keepdims=True)
        upd = cmin < best_val
        return (jnp.where(upd, cmin, best_val),
                jnp.where(upd, cidxf, best_idxf))

    UNROLL = 8

    def chunk_step(c2, carry):
        best_val, best_idxf = carry
        for u in range(UNROLL):
            best_val, best_idxf = _one_chunk(c2 * UNROLL + u,
                                             best_val, best_idxf)
        return (best_val, best_idxf)

    init = (jnp.full((T_TILE, 1), jnp.inf, jnp.float32),
            jnp.zeros((T_TILE, 1), jnp.float32))
    _, best_idxf = lax.fori_loop(0, nchunks // UNROLL, chunk_step, init)
    ind_out_ref[...] = best_idxf.astype(jnp.int32)


def _tc_dist_argmin(zf, proj_w, proj_b2, e_norms, embed):
    grid = (N_TOK // T_TILE,)
    return pl.pallas_call(
        _dist_argmin_body,
        grid=grid,
        in_specs=[
            pl.BlockSpec((T_TILE, HIDDEN), lambda i: (i, 0)),
            pl.BlockSpec((EMB, HIDDEN), lambda i: (0, 0)),
            pl.BlockSpec((1, EMB), lambda i: (0, 0)),
            pl.BlockSpec((1, K), lambda i: (0, 0)),
            pl.BlockSpec((K, EMB), lambda i: (0, 0)),
        ],
        out_specs=[
            pl.BlockSpec((T_TILE, EMB), lambda i: (i, 0)),
            pl.BlockSpec((T_TILE, 1), lambda i: (i, 0)),
        ],
        out_shape=[
            jax.ShapeDtypeStruct((N_TOK, EMB), jnp.float32),
            jax.ShapeDtypeStruct((N_TOK, 1), jnp.int32),
        ],
    )(zf, proj_w, proj_b2, e_norms, embed)


def _make_sc_gather():
    info = plsc.get_sparse_core_info()
    nc, ns = info.num_cores, info.num_subcores
    nw = nc * ns
    bw = N_TOK // nw
    mesh = plsc.VectorSubcoreMesh(core_axis_name="c", subcore_axis_name="s")

    @functools.partial(
        pl.kernel,
        mesh=mesh,
        out_type=[
            jax.ShapeDtypeStruct((N_TOK, EMB), jnp.float32),
            jax.ShapeDtypeStruct((nw, 16), jnp.float32),
        ],
        scratch_types=[
            pltpu.VMEM((bw,), jnp.int32),
            pltpu.VMEM((bw, 128), jnp.float32),
            pltpu.VMEM((bw, EMB), jnp.float32),
            pltpu.VMEM((bw, EMB), jnp.float32),
            pltpu.VMEM((16,), jnp.float32),
            pltpu.SemaphoreType.DMA,
        ],
    )
    def sc_kernel(embed_pad_hbm, idx_hbm, ze_hbm, zqst_hbm, part_hbm,
                  idx_v, rows_v, ze_v, out_v, acc_v, sem):
        wid = lax.axis_index("s") * nc + lax.axis_index("c")
        base = wid * bw
        pltpu.sync_copy(idx_hbm.at[pl.ds(base, bw)], idx_v)
        pltpu.async_copy(embed_pad_hbm.at[idx_v], rows_v, sem).wait()
        pltpu.sync_copy(ze_hbm.at[pl.ds(base, bw)], ze_v)

        def row_step(i, acc):
            for c in range(EMB // 16):
                zq = rows_v[i, pl.ds(c * 16, 16)]
                ze = ze_v[i, pl.ds(c * 16, 16)]
                d = zq - ze
                out_v[i, pl.ds(c * 16, 16)] = ze + d
                acc = acc + d * d
            return acc

        acc = lax.fori_loop(0, bw, row_step, jnp.zeros((16,), jnp.float32))
        acc_v[...] = acc
        pltpu.sync_copy(out_v, zqst_hbm.at[pl.ds(base, bw)])
        pltpu.sync_copy(acc_v, part_hbm.at[wid])

    return sc_kernel


def kernel(z, proj_w, proj_b, embed):
    B, C, H, W = z.shape
    zf = jnp.transpose(z, (0, 2, 3, 1)).reshape(N_TOK, C)
    pb2 = proj_b.reshape(1, EMB)
    e_norms = jnp.sum(embed ** 2, axis=1)[None, :]

    ze, ind = _tc_dist_argmin(zf, proj_w, pb2, e_norms, embed)
    idx_flat = ind.reshape(N_TOK)

    embed_pad = jnp.pad(embed, ((0, 0), (0, 128 - EMB)))
    sc = _make_sc_gather()
    zq_st, partials = sc(embed_pad, idx_flat, ze)

    diff = jnp.sum(partials) * jnp.float32(2.0 / (N_TOK * EMB))
    return (zq_st.reshape(B, H, W, EMB), diff,
            idx_flat.reshape(B, H, W))

# --- scband reference (transcript-rebuilt; emitter-appended) ---
"""Pipeline reference for scband-vector-quantize-41704132444480 (READ-ONLY COPY).

The authoritative reference and input builder live on the scoring server;
editing this copy changes nothing except your own understanding.
"""

import jax, jax.numpy as jnp
import numpy as np

HIDDEN_DIM = 96
EMBEDDING_DIM = 32
N_EMBED = 8192
COMMITMENT_COST = 1.0


def setup_inputs(seed: int = 0) -> dict:
    key = jax.random.key(seed)
    k1, k2, k3 = jax.random.split(key, 3)
    z = jax.random.normal(k1, (8, HIDDEN_DIM, 32, 32), dtype=jnp.float32)
    # 1x1 conv == per-pixel linear; store weight as [out, in]
    proj_w = jax.random.normal(k2, (EMBEDDING_DIM, HIDDEN_DIM), dtype=jnp.float32) * (1.0 / np.sqrt(HIDDEN_DIM))
    proj_b = jnp.zeros((EMBEDDING_DIM,), dtype=jnp.float32)
    embed = jax.random.uniform(k3, (N_EMBED, EMBEDDING_DIM), dtype=jnp.float32, minval=-1.0 / N_EMBED, maxval=1.0 / N_EMBED)
    return {"z": z, "proj_w": proj_w, "proj_b": proj_b, "embed": embed}


def reference(z, proj_w, proj_b, embed):
    B, C, H, W = z.shape
    # proj (1x1 conv) then permute(0,2,3,1)
    zt = jnp.transpose(z, (0, 2, 3, 1))  # [B,H,W,C]
    z_e = zt @ proj_w.T + proj_b  # [B,H,W,emb]
    flatten = z_e.reshape(-1, embed.shape[1])  # [BHW, emb]
    dist = (jnp.sum(flatten ** 2, axis=1, keepdims=True)
            - 2.0 * (flatten @ embed.T)
            + jnp.sum(embed ** 2, axis=1)[None, :])  # [BHW, K]
    embed_ind = jnp.argmax(-dist, axis=1)
    embed_ind = embed_ind.reshape(B, H, W)
    z_q = jnp.take(embed, embed_ind, axis=0)  # [B,H,W,emb] embedding lookup
    diff = (COMMITMENT_COST * jnp.mean((jax.lax.stop_gradient(z_q) - z_e) ** 2)
            + jnp.mean((z_q - jax.lax.stop_gradient(z_e)) ** 2))
    z_q_st = z_e + jax.lax.stop_gradient(z_q - z_e)
    return (z_q_st, diff, embed_ind)

if __name__ == "__main__":
    import jax
    _d = setup_inputs()
    print(jax.jit(kernel)(*tuple(_d.values())))

</pallas_src>

<mosaic_0001>
#map = affine_map<(d0, d1) -> (0, 0)>
#map1 = affine_map<(d0, d1) -> (0)>
module attributes {stable_mosaic.version = 14 : i64} {
  func.func @sc_kernel(%arg0: i32, %arg1: i32, %arg2: memref<8192x128xf32, #tpu.memory_space<hbm>>, %arg3: memref<8192xi32, #tpu.memory_space<hbm>>, %arg4: memref<8192x32xf32, #tpu.memory_space<hbm>>, %arg5: memref<8192x32xf32, #tpu.memory_space<hbm>>, %arg6: memref<32x16xf32, #tpu.memory_space<hbm>>, %arg7: memref<256xi32, #tpu.memory_space<vmem>>, %arg8: memref<256x128xf32, #tpu.memory_space<vmem>>, %arg9: memref<256x32xf32, #tpu.memory_space<vmem>>, %arg10: memref<256x32xf32, #tpu.memory_space<vmem>>, %arg11: memref<16xf32, #tpu.memory_space<vmem>>, %arg12: memref<!tpu.dma_semaphore, #tpu.memory_space<semaphore_mem>>) attributes {dimension_semantics = [#tpu.dimension_semantics<core_parallel>, #tpu.dimension_semantics<subcore_parallel>], iteration_bounds = array<i64: 2, 16>, scalar_prefetch = 0 : i64, scratch_operands = 6 : i64, tpu.core_type = #tpu.core_type<sc_vector_subcore>, window_params = [{transform_indices = #map}, {transform_indices = #map1}, {transform_indices = #map}, {transform_indices = #map}, {transform_indices = #map}]} {
    %mul3A = arith.constant 2 : i32
    %mul3A_0 = arith.muli %arg1, %mul3A : i32
    %add3A = arith.addi %mul3A_0, %arg0 : i32
    %mul3A_1 = arith.constant 256 : i32
    %mul3A_2 = arith.muli %add3A, %mul3A_1 : i32
    "tpu.region"() ({
      %run_scoped3A = tpu.sem_alloc : memref<!tpu.dma_semaphore, #tpu.memory_space<semaphore_mem>>
      %dma_start3A_16 = tpu.memref_slice %arg3[%mul3A_2] : memref<8192xi32, #tpu.memory_space<hbm>> -> memref<256xi32, #tpu.memory_space<hbm>>
      %dma_start3A_17 = tpu.memref_slice %arg3[%mul3A_2] : memref<8192xi32, #tpu.memory_space<hbm>> -> memref<256xi32, #tpu.memory_space<hbm>>
      tpu.enqueue_dma source(%dma_start3A_17 : memref<256xi32, #tpu.memory_space<hbm>>) target(%arg7 : memref<256xi32, #tpu.memory_space<vmem>>) target_semaphore(%run_scoped3A : memref<!tpu.dma_semaphore, #tpu.memory_space<semaphore_mem>>)
      %dma_wait3A_18 = tpu.memref_slice %arg3[%mul3A_2] : memref<8192xi32, #tpu.memory_space<hbm>> -> memref<256xi32, #tpu.memory_space<hbm>>
      %dma_wait3A_19 = tpu.memref_slice %arg3[%mul3A_2] : memref<8192xi32, #tpu.memory_space<hbm>> -> memref<256xi32, #tpu.memory_space<hbm>>
      tpu.wait_dma2 semaphore(%run_scoped3A : memref<!tpu.dma_semaphore, #tpu.memory_space<semaphore_mem>>) src(%dma_wait3A_19 : memref<256xi32, #tpu.memory_space<hbm>>) dst(%arg7 : memref<256xi32, #tpu.memory_space<vmem>>)
      tpu.yield
    }) : () -> ()
    %dma_start3A = arith.constant 0 : i32
    %dma_start3A_3 = arith.constant 0 : i32
    %dma_start3A_4 = tpu.memref_slice %arg2[%dma_start3A, %dma_start3A_3] : memref<8192x128xf32, #tpu.memory_space<hbm>> -> memref<8192x128xf32, #tpu.memory_space<hbm>>
    tpu.enqueue_indirect_dma source(%dma_start3A_4 : memref<8192x128xf32, #tpu.memory_space<hbm>>) target(%arg8 : memref<256x128xf32, #tpu.memory_space<vmem>>) offsets(%arg7 : memref<256xi32, #tpu.memory_space<vmem>>) semaphore(%arg12 : memref<!tpu.dma_semaphore, #tpu.memory_space<semaphore_mem>>)
    %dma_wait3A = arith.constant 0 : i32
    %dma_wait3A_5 = arith.constant 0 : i32
    %dma_wait3A_6 = tpu.memref_slice %arg2[%dma_wait3A, %dma_wait3A_5] : memref<8192x128xf32, #tpu.memory_space<hbm>> -> memref<8192x128xf32, #tpu.memory_space<hbm>>
    tpu.wait_indirect_dma semaphore(%arg12 : memref<!tpu.dma_semaphore, #tpu.memory_space<semaphore_mem>>) src(%dma_wait3A_6 : memref<8192x128xf32, #tpu.memory_space<hbm>>) dst(%arg8 : memref<256x128xf32, #tpu.memory_space<vmem>>)
    "tpu.region"() ({
      %run_scoped3A = tpu.sem_alloc : memref<!tpu.dma_semaphore, #tpu.memory_space<semaphore_mem>>
      %dma_start3A_16 = arith.constant 0 : i32
      %dma_start3A_17 = tpu.memref_slice %arg4[%mul3A_2, %dma_start3A_16] : memref<8192x32xf32, #tpu.memory_space<hbm>> -> memref<256x32xf32, #tpu.memory_space<hbm>>
      %dma_start3A_18 = arith.constant 0 : i32
      %dma_start3A_19 = tpu.memref_slice %arg4[%mul3A_2, %dma_start3A_18] : memref<8192x32xf32, #tpu.memory_space<hbm>> -> memref<256x32xf32, #tpu.memory_space<hbm>>
      tpu.enqueue_dma source(%dma_start3A_19 : memref<256x32xf32, #tpu.memory_space<hbm>>) target(%arg9 : memref<256x32xf32, #tpu.memory_space<vmem>>) target_semaphore(%run_scoped3A : memref<!tpu.dma_semaphore, #tpu.memory_space<semaphore_mem>>)
      %dma_wait3A_20 = arith.constant 0 : i32
      %dma_wait3A_21 = tpu.memref_slice %arg4[%mul3A_2, %dma_wait3A_20] : memref<8192x32xf32, #tpu.memory_space<hbm>> -> memref<256x32xf32, #tpu.memory_space<hbm>>
      %dma_wait3A_22 = arith.constant 0 : i32
      %dma_wait3A_23 = tpu.memref_slice %arg4[%mul3A_2, %dma_wait3A_22] : memref<8192x32xf32, #tpu.memory_space<hbm>> -> memref<256x32xf32, #tpu.memory_space<hbm>>
      tpu.wait_dma2 semaphore(%run_scoped3A : memref<!tpu.dma_semaphore, #tpu.memory_space<semaphore_mem>>) src(%dma_wait3A_23 : memref<256x32xf32, #tpu.memory_space<hbm>>) dst(%arg9 : memref<256x32xf32, #tpu.memory_space<vmem>>)
      tpu.yield
    }) : () -> ()
    %broadcast_in_dim3A = arith.constant 0.000000e+00 : f32
    %broadcast_in_dim3A_7 = vector.broadcast %broadcast_in_dim3A : f32 to vector<16xf32>
    %scan3A = arith.constant 0 : i32
    %scan3A_8 = arith.constant 256 : i32
    %scan3A_9 = arith.addi %scan3A, %scan3A_8 : i32
    %scan3A_10 = arith.constant 1 : i32
    %scan3A_11 = scf.for %scan3A_16 = %scan3A to %scan3A_9 step %scan3A_10 iter_args(%scan3A_17 = %broadcast_in_dim3A_7) -> (vector<16xf32>)  : i32 {
      %get3A = arith.index_cast %scan3A_16 : i32 to index
      %get3A_18 = arith.constant 0 : index
      %get3A_19 = tpu.vector_load %arg8[%get3A, %get3A_18] {strides = array<i32>} : memref<256x128xf32, #tpu.memory_space<vmem>>, vector<1x16xf32>,
      %get3A_20 = vector.shape_cast %get3A_19 : vector<1x16xf32> to vector<16xf32>
      %get3A_21 = arith.index_cast %scan3A_16 : i32 to index
      %get3A_22 = arith.constant 0 : index
      %get3A_23 = tpu.vector_load %arg9[%get3A_21, %get3A_22] {strides = array<i32>} : memref<256x32xf32, #tpu.memory_space<vmem>>, vector<1x16xf32>,
      %get3A_24 = vector.shape_cast %get3A_23 : vector<1x16xf32> to vector<16xf32>
      %sub3A = arith.subf %get3A_20, %get3A_24 : vector<16xf32>
      %add3A_25 = arith.addf %get3A_24, %sub3A : vector<16xf32>
      %swap3A_26 = arith.index_cast %scan3A_16 : i32 to index
      %swap3A_27 = arith.constant 0 : index
      %swap3A_28 = tpu.vector_load %arg10[%swap3A_26, %swap3A_27] {strides = array<i32>} : memref<256x32xf32, #tpu.memory_space<vmem>>, vector<1x16xf32>,
      %swap3A_29 = vector.shape_cast %swap3A_28 : vector<1x16xf32> to vector<16xf32>
      %swap3A_30 = vector.shape_cast %add3A_25 : vector<16xf32> to vector<1x16xf32>
      tpu.vector_store %arg10[%swap3A_26, %swap3A_27], %swap3A_30 {strides = array<i32>} : memref<256x32xf32, #tpu.memory_space<vmem>>, vector<1x16xf32>,
      %mul3A_31 = arith.mulf %sub3A, %sub3A : vector<16xf32>
      %add3A_32 = arith.addf %scan3A_17, %mul3A_31 : vector<16xf32>
      %get3A_33 = arith.index_cast %scan3A_16 : i32 to index
      %get3A_34 = arith.constant 16 : index
      %get3A_35 = tpu.vector_load %arg8[%get3A_33, %get3A_34] {strides = array<i32>} : memref<256x128xf32, #tpu.memory_space<vmem>>, vector<1x16xf32>,
      %get3A_36 = vector.shape_cast %get3A_35 : vector<1x16xf32> to vector<16xf32>
      %get3A_37 = arith.index_cast %scan3A_16 : i32 to index
      %get3A_38 = arith.constant 16 : index
      %get3A_39 = tpu.vector_load %arg9[%get3A_37, %get3A_38] {strides = array<i32>} : memref<256x32xf32, #tpu.memory_space<vmem>>, vector<1x16xf32>,
      %get3A_40 = vector.shape_cast %get3A_39 : vector<1x16xf32> to vector<16xf32>
      %sub3A_41 = arith.subf %get3A_36, %get3A_40 : vector<16xf32>
      %add3A_42 = arith.addf %get3A_40, %sub3A_41 : vector<16xf32>
      %swap3A_43 = arith.index_cast %scan3A_16 : i32 to index
      %swap3A_44 = arith.constant 16 : index
      %swap3A_45 = tpu.vector_load %arg10[%swap3A_43, %swap3A_44] {strides = array<i32>} : memref<256x32xf32, #tpu.memory_space<vmem>>, vector<1x16xf32>,
      %swap3A_46 = vector.shape_cast %swap3A_45 : vector<1x16xf32> to vector<16xf32>
      %swap3A_47 = vector.shape_cast %add3A_42 : vector<16xf32> to vector<1x16xf32>
      tpu.vector_store %arg10[%swap3A_43, %swap3A_44], %swap3A_47 {strides = array<i32>} : memref<256x32xf32, #tpu.memory_space<vmem>>, vector<1x16xf32>,
      %mul3A_48 = arith.mulf %sub3A_41, %sub3A_41 : vector<16xf32>
      %add3A_49 = arith.addf %add3A_32, %mul3A_48 : vector<16xf32>
      scf.yield %add3A_49 : vector<16xf32>
    }
    %scan3A_12 = arith.constant 256 : i32
    %swap3A = arith.constant 0 : index
    %swap3A_13 = tpu.vector_load %arg11[%swap3A] {strides = array<i32>} : memref<16xf32, #tpu.memory_space<vmem>>, vector<16xf32>,
    %swap3A_14 = vector.shape_cast %swap3A_13 : vector<16xf32> to vector<16xf32>
    %swap3A_15 = vector.shape_cast %scan3A_11 : vector<16xf32> to vector<16xf32>
    tpu.vector_store %arg11[%swap3A], %swap3A_15 {strides = array<i32>} : memref<16xf32, #tpu.memory_space<vmem>>, vector<16xf32>,
    "tpu.region"() ({
      %run_scoped3A = tpu.sem_alloc : memref<!tpu.dma_semaphore, #tpu.memory_space<semaphore_mem>>
      %dma_start3A_16 = arith.constant 0 : i32
      %dma_start3A_17 = tpu.memref_slice %arg5[%mul3A_2, %dma_start3A_16] : memref<8192x32xf32, #tpu.memory_space<hbm>> -> memref<256x32xf32, #tpu.memory_space<hbm>>
      %dma_start3A_18 = arith.constant 0 : i32
      %dma_start3A_19 = tpu.memref_slice %arg5[%mul3A_2, %dma_start3A_18] : memref<8192x32xf32, #tpu.memory_space<hbm>> -> memref<256x32xf32, #tpu.memory_space<hbm>>
      tpu.enqueue_dma source(%arg10 : memref<256x32xf32, #tpu.memory_space<vmem>>) target(%dma_start3A_19 : memref<256x32xf32, #tpu.memory_space<hbm>>) target_semaphore(%run_scoped3A : memref<!tpu.dma_semaphore, #tpu.memory_space<semaphore_mem>>)
      %dma_wait3A_20 = arith.constant 0 : i32
      %dma_wait3A_21 = tpu.memref_slice %arg5[%mul3A_2, %dma_wait3A_20] : memref<8192x32xf32, #tpu.memory_space<hbm>> -> memref<256x32xf32, #tpu.memory_space<hbm>>
      %dma_wait3A_22 = arith.constant 0 : i32
      %dma_wait3A_23 = tpu.memref_slice %arg5[%mul3A_2, %dma_wait3A_22] : memref<8192x32xf32, #tpu.memory_space<hbm>> -> memref<256x32xf32, #tpu.memory_space<hbm>>
      tpu.wait_dma2 semaphore(%run_scoped3A : memref<!tpu.dma_semaphore, #tpu.memory_space<semaphore_mem>>) src(%arg10 : memref<256x32xf32, #tpu.memory_space<vmem>>) dst(%dma_wait3A_23 : memref<256x32xf32, #tpu.memory_space<hbm>>)
      tpu.yield
    }) : () -> ()
    "tpu.region"() ({
      %run_scoped3A = tpu.sem_alloc : memref<!tpu.dma_semaphore, #tpu.memory_space<semaphore_mem>>
      %dma_start3A_16 = arith.constant 0 : i32
      %dma_start3A_17 = tpu.memref_slice %arg6[%add3A, %dma_start3A_16] : memref<32x16xf32, #tpu.memory_space<hbm>> -> memref<1x16xf32, #tpu.memory_space<hbm>>
      %dma_start3A_18 = tpu.memref_squeeze %dma_start3A_17 : memref<1x16xf32, #tpu.memory_space<hbm>> -> memref<16xf32, #tpu.memory_space<hbm>>
      %dma_start3A_19 = arith.constant 0 : i32
      %dma_start3A_20 = tpu.memref_slice %arg6[%add3A, %dma_start3A_19] : memref<32x16xf32, #tpu.memory_space<hbm>> -> memref<1x16xf32, #tpu.memory_space<hbm>>
      %dma_start3A_21 = tpu.memref_squeeze %dma_start3A_20 : memref<1x16xf32, #tpu.memory_space<hbm>> -> memref<16xf32, #tpu.memory_space<hbm>>
      tpu.enqueue_dma source(%arg11 : memref<16xf32, #tpu.memory_space<vmem>>) target(%dma_start3A_21 : memref<16xf32, #tpu.memory_space<hbm>>) target_semaphore(%run_scoped3A : memref<!tpu.dma_semaphore, #tpu.memory_space<semaphore_mem>>)
      %dma_wait3A_22 = arith.constant 0 : i32
      %dma_wait3A_23 = tpu.memref_slice %arg6[%add3A, %dma_wait3A_22] : memref<32x16xf32, #tpu.memory_space<hbm>> -> memref<1x16xf32, #tpu.memory_space<hbm>>
      %dma_wait3A_24 = tpu.memref_squeeze %dma_wait3A_23 : memref<1x16xf32, #tpu.memory_space<hbm>> -> memref<16xf32, #tpu.memory_space<hbm>>
      %dma_wait3A_25 = arith.constant 0 : i32
      %dma_wait3A_26 = tpu.memref_slice %arg6[%add3A, %dma_wait3A_25] : memref<32x16xf32, #tpu.memory_space<hbm>> -> memref<1x16xf32, #tpu.memory_space<hbm>>
      %dma_wait3A_27 = tpu.memref_squeeze %dma_wait3A_26 : memref<1x16xf32, #tpu.memory_space<hbm>> -> memref<16xf32, #tpu.memory_space<hbm>>
      tpu.wait_dma2 semaphore(%run_scoped3A : memref<!tpu.dma_semaphore, #tpu.memory_space<semaphore_mem>>) src(%arg11 : memref<16xf32, #tpu.memory_space<vmem>>) dst(%dma_wait3A_27 : memref<16xf32, #tpu.memory_space<hbm>>)
      tpu.yield
    }) : () -> ()
    return
  }
}

module attributes {stable_mosaic.version = 14 : i64} {
  func.func @_dist_argmin_body(%arg0: i32, %arg1: memref<2048x96xf32, #tpu.memory_space<vmem>>, %arg2: memref<32x96xf32, #tpu.memory_space<vmem>>, %arg3: memref<1x32xf32, #tpu.memory_space<vmem>>, %arg4: memref<1x8192xf32, #tpu.memory_space<vmem>>, %arg5: memref<8192x32xf32, #tpu.memory_space<vmem>>, %arg6: memref<2048x32xf32, #tpu.memory_space<vmem>>, %arg7: memref<2048x1xi32, #tpu.memory_space<vmem>>) attributes {dimension_semantics = [#tpu.dimension_semantics<arbitrary>], iteration_bounds = array<i64: 4>, scalar_prefetch = 0 : i64, scratch_operands = 0 : i64, tpu.core_type = #tpu.core_type<tc>, window_params = [{transform_indices = @transform_0, window_bounds = array<i64: 2048, 96>}, {pipeline_mode = #tpu.pipeline_mode<synchronous>, transform_indices = @transform_1, window_bounds = array<i64: 32, 96>}, {pipeline_mode = #tpu.pipeline_mode<synchronous>, transform_indices = @transform_2, window_bounds = array<i64: 1, 32>}, {pipeline_mode = #tpu.pipeline_mode<synchronous>, transform_indices = @transform_3, window_bounds = array<i64: 1, 8192>}, {pipeline_mode = #tpu.pipeline_mode<synchronous>, transform_indices = @transform_4, window_bounds = array<i64: 8192, 32>}, {transform_indices = @transform_5, window_bounds = array<i64: 2048, 32>}, {transform_indices = @transform_6, window_bounds = array<i64: 2048, 1>}]} {
    %get3A = arith.constant 0 : index
    %get3A_0 = arith.constant 0 : index
    %get3A_1 = vector.load %arg1[%get3A, %get3A_0] : memref<2048x96xf32, #tpu.memory_space<vmem>>, vector<2048x96xf32>
    %get3A_2 = arith.constant 0 : index
    %get3A_3 = arith.constant 0 : index
    %get3A_4 = vector.load %arg2[%get3A_2, %get3A_3] : memref<32x96xf32, #tpu.memory_space<vmem>>, vector<32x96xf32>
    %get3A_5 = arith.constant 0 : index
    %get3A_6 = arith.constant 0 : index
    %get3A_7 = vector.load %arg3[%get3A_5, %get3A_6] : memref<1x32xf32, #tpu.memory_space<vmem>>, vector<1x32xf32>
    %dot_general3A = arith.constant dense<0.000000e+00> : vector<2048x32xf32>
    %dot_general3A_8 = tpu.matmul %get3A_1, %get3A_4, %dot_general3A {dimension_numbers = #tpu.dot_dimension_numbers<[1], [1], [0], [0], [0, 0, 1, 0], [], []>, transpose_lhs_hint = false} : vector<2048x96xf32>, vector<32x96xf32>, vector<2048x32xf32> -> vector<2048x32xf32>
    %add3A = vector.broadcast %get3A_7 : vector<1x32xf32> to vector<2048x32xf32>
    %add3A_9 = arith.addf %dot_general3A_8, %add3A : vector<2048x32xf32>
    %swap3A = arith.constant 0 : index
    %swap3A_10 = arith.constant 0 : index
    %swap3A_11 = vector.load %arg6[%swap3A, %swap3A_10] : memref<2048x32xf32, #tpu.memory_space<vmem>>, vector<2048x32xf32>
    tpu.vector_store %arg6[%swap3A, %swap3A_10], %add3A_9 {strides = array<i32>} : memref<2048x32xf32, #tpu.memory_space<vmem>>, vector<2048x32xf32>,
    %mul3A = arith.mulf %add3A_9, %add3A_9 : vector<2048x32xf32>
    %reduce_sum3A = arith.constant dense<0.000000e+00> : vector<2048xf32>
    %reduce_sum3A_12 = vector.multi_reduction <add>, %mul3A, %reduce_sum3A [1] : vector<2048x32xf32> to vector<2048xf32>
    %broadcast_in_dim3A = vector.shape_cast %reduce_sum3A_12 : vector<2048xf32> to vector<2048x1xf32>
    %add3A_13 = arith.addf %add3A_9, %add3A_9 : vector<2048x32xf32>
    %broadcast_in_dim3A_14 = arith.constant 0x7F800000 : f32
    %broadcast_in_dim3A_15 = vector.broadcast %broadcast_in_dim3A_14 : f32 to vector<2048x1xf32>
    %broadcast_in_dim3A_16 = arith.constant 0.000000e+00 : f32
    %broadcast_in_dim3A_17 = vector.broadcast %broadcast_in_dim3A_16 : f32 to vector<2048x1xf32>
    %scan3A = arith.constant 0 : i32
    %mul3A_18 = arith.constant 8 : i32
    %mul3A_19 = arith.muli %scan3A, %mul3A_18 : i32
    %add3A_20 = arith.constant 0 : i32
    %add3A_21 = arith.addi %mul3A_19, %add3A_20 : i32
    %mul3A_22 = arith.constant 1024 : i32
    %mul3A_23 = arith.muli %add3A_21, %mul3A_22 : i32
    %get3A_24 = arith.index_cast %mul3A_23 : i32 to index
    %get3A_25 = arith.constant 0 : index
    %get3A_26 = vector.load %arg5[%get3A_24, %get3A_25] : memref<8192x32xf32, #tpu.memory_space<vmem>>, vector<1024x32xf32>
    %dot_general3A_27 = arith.constant dense<0.000000e+00> : vector<2048x1024xf32>
    %dot_general3A_28 = tpu.matmul %add3A_13, %get3A_26, %dot_general3A_27 {dimension_numbers = #tpu.dot_dimension_numbers<[1], [1], [0], [0], [0, 0, 1, 0], [], []>, transpose_lhs_hint = false} : vector<2048x32xf32>, vector<1024x32xf32>, vector<2048x1024xf32> -> vector<2048x1024xf32>
    %mul3A_29 = arith.constant 1024 : i32
    %mul3A_30 = arith.muli %add3A_21, %mul3A_29 : i32
    %get3A_31 = arith.constant 0 : index
    %get3A_32 = arith.index_cast %mul3A_30 : i32 to index
    %get3A_33 = vector.load %arg4[%get3A_31, %get3A_32] : memref<1x8192xf32, #tpu.memory_space<vmem>>, vector<1x1024xf32>
    %sub3A = vector.broadcast %broadcast_in_dim3A : vector<2048x1xf32> to vector<2048x1024xf32>
    %sub3A_34 = arith.subf %sub3A, %dot_general3A_28 : vector<2048x1024xf32>
    %add3A_35 = vector.broadcast %get3A_33 : vector<1x1024xf32> to vector<2048x1024xf32>
    %add3A_36 = arith.addf %sub3A_34, %add3A_35 : vector<2048x1024xf32>
    %reduce_min3A = arith.constant dense<0x7F800000> : vector<2048xf32>
    %reduce_min3A_37 = vector.multi_reduction <minimumf>, %add3A_36, %reduce_min3A [1] : vector<2048x1024xf32> to vector<2048xf32>
    %broadcast_in_dim3A_38 = vector.shape_cast %reduce_min3A_37 : vector<2048xf32> to vector<2048x1xf32>
    %iota3A = tpu.iota {dimensions = array<i32: 1>} : vector<1x1024xi32>
    %mul3A_39 = arith.constant 1024 : i32
    %mul3A_40 = arith.muli %add3A_21, %mul3A_39 : i32
    %add3A_41 = vector.broadcast %mul3A_40 : i32 to vector<1x1024xi32>
    %add3A_42 = arith.addi %iota3A, %add3A_41 : vector<1x1024xi32>
    %convert_element_type3A = arith.sitofp %add3A_42 : vector<1x1024xi32> to vector<1x1024xf32>
    %eq3A = vector.broadcast %broadcast_in_dim3A_38 : vector<2048x1xf32> to vector<2048x1024xf32>
    %eq3A_43 = arith.cmpf oeq, %add3A_36, %eq3A : vector<2048x1024xf32>
    %jit3A = arith.constant 1.000000e+09 : f32
    %broadcast_in_dim3A_44 = vector.shape_cast %convert_element_type3A : vector<1x1024xf32> to vector<1x1024xf32>
    %broadcast_in_dim3A_45 = vector.broadcast %broadcast_in_dim3A_44 : vector<1x1024xf32> to vector<2048x1024xf32>
    %broadcast_in_dim3A_46 = vector.broadcast %jit3A : f32 to vector<2048x1024xf32>
    %select_n3A = arith.select %eq3A_43, %broadcast_in_dim3A_45, %broadcast_in_dim3A_46 : vector<2048x1024xi1>, vector<2048x1024xf32>
    %reduce_min3A_47 = arith.constant dense<0x7F800000> : vector<2048xf32>
    %reduce_min3A_48 = vector.multi_reduction <minimumf>, %select_n3A, %reduce_min3A_47 [1] : vector<2048x1024xf32> to vector<2048xf32>
    %broadcast_in_dim3A_49 = vector.shape_cast %reduce_min3A_48 : vector<2048xf32> to vector<2048x1xf32>
    %lt3A = arith.cmpf olt, %broadcast_in_dim3A_38, %broadcast_in_dim3A_15 : vector<2048x1xf32>
    %select_n3A_50 = arith.select %lt3A, %broadcast_in_dim3A_38, %broadcast_in_dim3A_15 : vector<2048x1xi1>, vector<2048x1xf32>
    %select_n3A_51 = arith.select %lt3A, %broadcast_in_dim3A_49, %broadcast_in_dim3A_17 : vector<2048x1xi1>, vector<2048x1xf32>
    %mul3A_52 = arith.constant 8 : i32
    %mul3A_53 = arith.muli %scan3A, %mul3A_52 : i32
    %add3A_54 = arith.constant 1 : i32
    %add3A_55 = arith.addi %mul3A_53, %add3A_54 : i32
    %mul3A_56 = arith.constant 1024 : i32
    %mul3A_57 = arith.muli %add3A_55, %mul3A_56 : i32
    %get3A_58 = arith.index_cast %mul3A_57 : i32 to index
    %get3A_59 = arith.constant 0 : index
    %get3A_60 = vector.load %arg5[%get3A_58, %get3A_59] : memref<8192x32xf32, #tpu.memory_space<vmem>>, vector<1024x32xf32>
    %dot_general3A_61 = arith.constant dense<0.000000e+00> : vector<2048x1024xf32>
    %dot_general3A_62 = tpu.matmul %add3A_13, %get3A_60, %dot_general3A_61 {dimension_numbers = #tpu.dot_dimension_numbers<[1], [1], [0], [0], [0, 0, 1, 0], [], []>, transpose_lhs_hint = false} : vector<2048x32xf32>, vector<1024x32xf32>, vector<2048x1024xf32> -> vector<2048x1024xf32>
    %mul3A_63 = arith.constant 1024 : i32
    %mul3A_64 = arith.muli %add3A_55, %mul3A_63 : i32
    %get3A_65 = arith.constant 0 : index
    %get3A_66 = arith.index_cast %mul3A_64 : i32 to index
    %get3A_67 = vector.load %arg4[%get3A_65, %get3A_66] : memref<1x8192xf32, #tpu.memory_space<vmem>>, vector<1x1024xf32>
    %sub3A_68 = vector.broadcast %broadcast_in_dim3A : vector<2048x1xf32> to vector<2048x1024xf32>
    %sub3A_69 = arith.subf %sub3A_68, %dot_general3A_62 : vector<2048x1024xf32>
    %add3A_70 = vector.broadcast %get3A_67 : vector<1x1024xf32> to vector<2048x1024xf32>
    %add3A_71 = arith.addf %sub3A_69, %add3A_70 : vector<2048x1024xf32>
    %reduce_min3A_72 = arith.constant dense<0x7F800000> : vector<2048xf32>
    %reduce_min3A_73 = vector.multi_reduction <minimumf>, %add3A_71, %reduce_min3A_72 [1] : vector<2048x1024xf32> to vector<2048xf32>
    %broadcast_in_dim3A_74 = vector.shape_cast %reduce_min3A_73 : vector<2048xf32> to vector<2048x1xf32>
    %iota3A_75 = tpu.iota {dimensions = array<i32: 1>} : vector<1x1024xi32>
    %mul3A_76 = arith.constant 1024 : i32
    %mul3A_77 = arith.muli %add3A_55, %mul3A_76 : i32
    %add3A_78 = vector.broadcast %mul3A_77 : i32 to vector<1x1024xi32>
    %add3A_79 = arith.addi %iota3A_75, %add3A_78 : vector<1x1024xi32>
    %convert_element_type3A_80 = arith.sitofp %add3A_79 : vector<1x1024xi32> to vector<1x1024xf32>
    %eq3A_81 = vector.broadcast %broadcast_in_dim3A_74 : vector<2048x1xf32> to vector<2048x1024xf32>
    %eq3A_82 = arith.cmpf oeq, %add3A_71, %eq3A_81 : vector<2048x1024xf32>
    %jit3A_83 = arith.constant 1.000000e+09 : f32
    %broadcast_in_dim3A_84 = vector.shape_cast %convert_element_type3A_80 : vector<1x1024xf32> to vector<1x1024xf32>
    %broadcast_in_dim3A_85 = vector.broadcast %broadcast_in_dim3A_84 : vector<1x1024xf32> to vector<2048x1024xf32>
    %broadcast_in_dim3A_86 = vector.broadcast %jit3A_83 : f32 to vector<2048x1024xf32>
    %select_n3A_87 = arith.select %eq3A_82, %broadcast_in_dim3A_85, %broadcast_in_dim3A_86 : vector<2048x1024xi1>, vector<2048x1024xf32>
    %reduce_min3A_88 = arith.constant dense<0x7F800000> : vector<2048xf32>
    %reduce_min3A_89 = vector.multi_reduction <minimumf>, %select_n3A_87, %reduce_min3A_88 [1] : vector<2048x1024xf32> to vector<2048xf32>
    %broadcast_in_dim3A_90 = vector.shape_cast %reduce_min3A_89 : vector<2048xf32> to vector<2048x1xf32>
    %lt3A_91 = arith.cmpf olt, %broadcast_in_dim3A_74, %select_n3A_50 : vector<2048x1xf32>
    %select_n3A_92 = arith.select %lt3A_91, %broadcast_in_dim3A_74, %select_n3A_50 : vector<2048x1xi1>, vector<2048x1xf32>
    %select_n3A_93 = arith.select %lt3A_91, %broadcast_in_dim3A_90, %select_n3A_51 : vector<2048x1xi1>, vector<2048x1xf32>
    %mul3A_94 = arith.constant 8 : i32
    %mul3A_95 = arith.muli %scan3A, %mul3A_94 : i32
    %add3A_96 = arith.constant 2 : i32
    %add3A_97 = arith.addi %mul3A_95, %add3A_96 : i32
    %mul3A_98 = arith.constant 1024 : i32
    %mul3A_99 = arith.muli %add3A_97, %mul3A_98 : i32
    %get3A_100 = arith.index_cast %mul3A_99 : i32 to index
    %get3A_101 = arith.constant 0 : index
    %get3A_102 = vector.load %arg5[%get3A_100, %get3A_101] : memref<8192x32xf32, #tpu.memory_space<vmem>>, vector<1024x32xf32>
    %dot_general3A_103 = arith.constant dense<0.000000e+00> : vector<2048x1024xf32>
    %dot_general3A_104 = tpu.matmul %add3A_13, %get3A_102, %dot_general3A_103 {dimension_numbers = #tpu.dot_dimension_numbers<[1], [1], [0], [0], [0, 0, 1, 0], [], []>, transpose_lhs_hint = false} : vector<2048x32xf32>, vector<1024x32xf32>, vector<2048x1024xf32> -> vector<2048x1024xf32>
    %mul3A_105 = arith.constant 1024 : i32
    %mul3A_106 = arith.muli %add3A_97, %mul3A_105 : i32
    %get3A_107 = arith.constant 0 : index
    %get3A_108 = arith.index_cast %mul3A_106 : i32 to index
    %get3A_109 = vector.load %arg4[%get3A_107, %get3A_108] : memref<1x8192xf32, #tpu.memory_space<vmem>>, vector<1x1024xf32>
    %sub3A_110 = vector.broadcast %broadcast_in_dim3A : vector<2048x1xf32> to vector<2048x1024xf32>
    %sub3A_111 = arith.subf %sub3A_110, %dot_general3A_104 : vector<2048x1024xf32>
    %add3A_112 = vector.broadcast %get3A_109 : vector<1x1024xf32> to vector<2048x1024xf32>
    %add3A_113 = arith.addf %sub3A_111, %add3A_112 : vector<2048x1024xf32>
    %reduce_min3A_114 = arith.constant dense<0x7F800000> : vector<2048xf32>
    %reduce_min3A_115 = vector.multi_reduction <minimumf>, %add3A_113, %reduce_min3A_114 [1] : vector<2048x1024xf32> to vector<2048xf32>
    %broadcast_in_dim3A_116 = vector.shape_cast %reduce_min3A_115 : vector<2048xf32> to vector<2048x1xf32>
    %iota3A_117 = tpu.iota {dimensions = array<i32: 1>} : vector<1x1024xi32>
    %mul3A_118 = arith.constant 1024 : i32
    %mul3A_119 = arith.muli %add3A_97, %mul3A_118 : i32
    %add3A_120 = vector.broadcast %mul3A_119 : i32 to vector<1x1024xi32>
    %add3A_121 = arith.addi %iota3A_117, %add3A_120 : vector<1x1024xi32>
    %convert_element_type3A_122 = arith.sitofp %add3A_121 : vector<1x1024xi32> to vector<1x1024xf32>
    %eq3A_123 = vector.broadcast %broadcast_in_dim3A_116 : vector<2048x1xf32> to vector<2048x1024xf32>
    %eq3A_124 = arith.cmpf oeq, %add3A_113, %eq3A_123 : vector<2048x1024xf32>
    %jit3A_125 = arith.constant 1.000000e+09 : f32
    %broadcast_in_dim3A_126 = vector.shape_cast %convert_element_type3A_122 : vector<1x1024xf32> to vector<1x1024xf32>
    %broadcast_in_dim3A_127 = vector.broadcast %broadcast_in_dim3A_126 : vector<1x1024xf32> to vector<2048x1024xf32>
    %broadcast_in_dim3A_128 = vector.broadcast %jit3A_125 : f32 to vector<2048x1024xf32>
    %select_n3A_129 = arith.select %eq3A_124, %broadcast_in_dim3A_127, %broadcast_in_dim3A_128 : vector<2048x1024xi1>, vector<2048x1024xf32>
    %reduce_min3A_130 = arith.constant dense<0x7F800000> : vector<2048xf32>
    %reduce_min3A_131 = vector.multi_reduction <minimumf>, %select_n3A_129, %reduce_min3A_130 [1] : vector<2048x1024xf32> to vector<2048xf32>
    %broadcast_in_dim3A_132 = vector.shape_cast %reduce_min3A_131 : vector<2048xf32> to vector<2048x1xf32>
    %lt3A_133 = arith.cmpf olt, %broadcast_in_dim3A_116, %select_n3A_92 : vector<2048x1xf32>
    %select_n3A_134 = arith.select %lt3A_133, %broadcast_in_dim3A_116, %select_n3A_92 : vector<2048x1xi1>, vector<2048x1xf32>
    %select_n3A_135 = arith.select %lt3A_133, %broadcast_in_dim3A_132, %select_n3A_93 : vector<2048x1xi1>, vector<2048x1xf32>
    %mul3A_136 = arith.constant 8 : i32
    %mul3A_137 = arith.muli %scan3A, %mul3A_136 : i32
    %add3A_138 = arith.constant 3 : i32
    %add3A_139 = arith.addi %mul3A_137, %add3A_138 : i32
    %mul3A_140 = arith.constant 1024 : i32
    %mul3A_141 = arith.muli %add3A_139, %mul3A_140 : i32
    %get3A_142 = arith.index_cast %mul3A_141 : i32 to index
    %get3A_143 = arith.constant 0 : index
    %get3A_144 = vector.load %arg5[%get3A_142, %get3A_143] : memref<8192x32xf32, #tpu.memory_space<vmem>>, vector<1024x32xf32>
    %dot_general3A_145 = arith.constant dense<0.000000e+00> : vector<2048x1024xf32>
    %dot_general3A_146 = tpu.matmul %add3A_13, %get3A_144, %dot_general3A_145 {dimension_numbers = #tpu.dot_dimension_numbers<[1], [1], [0], [0], [0, 0, 1, 0], [], []>, transpose_lhs_hint = false} : vector<2048x32xf32>, vector<1024x32xf32>, vector<2048x1024xf32> -> vector<2048x1024xf32>
    %mul3A_147 = arith.constant 1024 : i32
    %mul3A_148 = arith.muli %add3A_139, %mul3A_147 : i32
    %get3A_149 = arith.constant 0 : index
    %get3A_150 = arith.index_cast %mul3A_148 : i32 to index
    %get3A_151 = vector.load %arg4[%get3A_149, %get3A_150] : memref<1x8192xf32, #tpu.memory_space<vmem>>, vector<1x1024xf32>
    %sub3A_152 = vector.broadcast %broadcast_in_dim3A : vector<2048x1xf32> to vector<2048x1024xf32>
    %sub3A_153 = arith.subf %sub3A_152, %dot_general3A_146 : vector<2048x1024xf32>
    %add3A_154 = vector.broadcast %get3A_151 : vector<1x1024xf32> to vector<2048x1024xf32>
    %add3A_155 = arith.addf %sub3A_153, %add3A_154 : vector<2048x1024xf32>
    %reduce_min3A_156 = arith.constant dense<0x7F800000> : vector<2048xf32>
    %reduce_min3A_157 = vector.multi_reduction <minimumf>, %add3A_155, %reduce_min3A_156 [1] : vector<2048x1024xf32> to vector<2048xf32>
    %broadcast_in_dim3A_158 = vector.shape_cast %reduce_min3A_157 : vector<2048xf32> to vector<2048x1xf32>
    %iota3A_159 = tpu.iota {dimensions = array<i32: 1>} : vector<1x1024xi32>
    %mul3A_160 = arith.constant 1024 : i32
    %mul3A_161 = arith.muli %add3A_139, %mul3A_160 : i32
    %add3A_162 = vector.broadcast %mul3A_161 : i32 to vector<1x1024xi32>
    %add3A_163 = arith.addi %iota3A_159, %add3A_162 : vector<1x1024xi32>
    %convert_element_type3A_164 = arith.sitofp %add3A_163 : vector<1x1024xi32> to vector<1x1024xf32>
    %eq3A_165 = vector.broadcast %broadcast_in_dim3A_158 : vector<2048x1xf32> to vector<2048x1024xf32>
    %eq3A_166 = arith.cmpf oeq, %add3A_155, %eq3A_165 : vector<2048x1024xf32>
    %jit3A_167 = arith.constant 1.000000e+09 : f32
    %broadcast_in_dim3A_168 = vector.shape_cast %convert_element_type3A_164 : vector<1x1024xf32> to vector<1x1024xf32>
    %broadcast_in_dim3A_169 = vector.broadcast %broadcast_in_dim3A_168 : vector<1x1024xf32> to vector<2048x1024xf32>
    %broadcast_in_dim3A_170 = vector.broadcast %jit3A_167 : f32 to vector<2048x1024xf32>
    %select_n3A_171 = arith.select %eq3A_166, %broadcast_in_dim3A_169, %broadcast_in_dim3A_170 : vector<2048x1024xi1>, vector<2048x1024xf32>
    %reduce_min3A_172 = arith.constant dense<0x7F800000> : vector<2048xf32>
    %reduce_min3A_173 = vector.multi_reduction <minimumf>, %select_n3A_171, %reduce_min3A_172 [1] : vector<2048x1024xf32> to vector<2048xf32>
    %broadcast_in_dim3A_174 = vector.shape_cast %reduce_min3A_173 : vector<2048xf32> to vector<2048x1xf32>
    %lt3A_175 = arith.cmpf olt, %broadcast_in_dim3A_158, %select_n3A_134 : vector<2048x1xf32>
    %select_n3A_176 = arith.select %lt3A_175, %broadcast_in_dim3A_158, %select_n3A_134 : vector<2048x1xi1>, vector<2048x1xf32>
    %select_n3A_177 = arith.select %lt3A_175, %broadcast_in_dim3A_174, %select_n3A_135 : vector<2048x1xi1>, vector<2048x1xf32>
    %mul3A_178 = arith.constant 8 : i32
    %mul3A_179 = arith.muli %scan3A, %mul3A_178 : i32
    %add3A_180 = arith.constant 4 : i32
    %add3A_181 = arith.addi %mul3A_179, %add3A_180 : i32
    %mul3A_182 = arith.constant 1024 : i32
    %mul3A_183 = arith.muli %add3A_181, %mul3A_182 : i32
    %get3A_184 = arith.index_cast %mul3A_183 : i32 to index
    %get3A_185 = arith.constant 0 : index
    %get3A_186 = vector.load %arg5[%get3A_184, %get3A_185] : memref<8192x32xf32, #tpu.memory_space<vmem>>, vector<1024x32xf32>
    %dot_general3A_187 = arith.constant dense<0.000000e+00> : vector<2048x1024xf32>
    %dot_general3A_188 = tpu.matmul %add3A_13, %get3A_186, %dot_general3A_187 {dimension_numbers = #tpu.dot_dimension_numbers<[1], [1], [0], [0], [0, 0, 1, 0], [], []>, transpose_lhs_hint = false} : vector<2048x32xf32>, vector<1024x32xf32>, vector<2048x1024xf32> -> vector<2048x1024xf32>
    %mul3A_189 = arith.constant 1024 : i32
    %mul3A_190 = arith.muli %add3A_181, %mul3A_189 : i32
    %get3A_191 = arith.constant 0 : index
    %get3A_192 = arith.index_cast %mul3A_190 : i32 to index
    %get3A_193 = vector.load %arg4[%get3A_191, %get3A_192] : memref<1x8192xf32, #tpu.memory_space<vmem>>, vector<1x1024xf32>
    %sub3A_194 = vector.broadcast %broadcast_in_dim3A : vector<2048x1xf32> to vector<2048x1024xf32>
    %sub3A_195 = arith.subf %sub3A_194, %dot_general3A_188 : vector<2048x1024xf32>
    %add3A_196 = vector.broadcast %get3A_193 : vector<1x1024xf32> to vector<2048x1024xf32>
    %add3A_197 = arith.addf %sub3A_195, %add3A_196 : vector<2048x1024xf32>
    %reduce_min3A_198 = arith.constant dense<0x7F800000> : vector<2048xf32>
    %reduce_min3A_199 = vector.multi_reduction <minimumf>, %add3A_197, %reduce_min3A_198 [1] : vector<2048x1024xf32> to vector<2048xf32>
    %broadcast_in_dim3A_200 = vector.shape_cast %reduce_min3A_199 : vector<2048xf32> to vector<2048x1xf32>
    %iota3A_201 = tpu.iota {dimensions = array<i32: 1>} : vector<1x1024xi32>
    %mul3A_202 = arith.constant 1024 : i32
    %mul3A_203 = arith.muli %add3A_181, %mul3A_202 : i32
    %add3A_204 = vector.broadcast %mul3A_203 : i32 to vector<1x1024xi32>
    %add3A_205 = arith.addi %iota3A_201, %add3A_204 : vector<1x1024xi32>
    %convert_element_type3A_206 = arith.sitofp %add3A_205 : vector<1x1024xi32> to vector<1x1024xf32>
    %eq3A_207 = vector.broadcast %broadcast_in_dim3A_200 : vector<2048x1xf32> to vector<2048x1024xf32>
    %eq3A_208 = arith.cmpf oeq, %add3A_197, %eq3A_207 : vector<2048x1024xf32>
    %jit3A_209 = arith.constant 1.000000e+09 : f32
    %broadcast_in_dim3A_210 = vector.shape_cast %convert_element_type3A_206 : vector<1x1024xf32> to vector<1x1024xf32>
    %broadcast_in_dim3A_211 = vector.broadcast %broadcast_in_dim3A_210 : vector<1x1024xf32> to vector<2048x1024xf32>
    %broadcast_in_dim3A_212 = vector.broadcast %jit3A_209 : f32 to vector<2048x1024xf32>
    %select_n3A_213 = arith.select %eq3A_208, %broadcast_in_dim3A_211, %broadcast_in_dim3A_212 : vector<2048x1024xi1>, vector<2048x1024xf32>
    %reduce_min3A_214 = arith.constant dense<0x7F800000> : vector<2048xf32>
    %reduce_min3A_215 = vector.multi_reduction <minimumf>, %select_n3A_213, %reduce_min3A_214 [1] : vector<2048x1024xf32> to vector<2048xf32>
    %broadcast_in_dim3A_216 = vector.shape_cast %reduce_min3A_215 : vector<2048xf32> to vector<2048x1xf32>
    %lt3A_217 = arith.cmpf olt, %broadcast_in_dim3A_200, %select_n3A_176 : vector<2048x1xf32>
    %select_n3A_218 = arith.select %lt3A_217, %broadcast_in_dim3A_200, %select_n3A_176 : vector<2048x1xi1>, vector<2048x1xf32>
    %select_n3A_219 = arith.select %lt3A_217, %broadcast_in_dim3A_216, %select_n3A_177 : vector<2048x1xi1>, vector<2048x1xf32>
    %mul3A_220 = arith.constant 8 : i32
    %mul3A_221 = arith.muli %scan3A, %mul3A_220 : i32
    %add3A_222 = arith.constant 5 : i32
    %add3A_223 = arith.addi %mul3A_221, %add3A_222 : i32
    %mul3A_224 = arith.constant 1024 : i32
    %mul3A_225 = arith.muli %add3A_223, %mul3A_224 : i32
    %get3A_226 = arith.index_cast %mul3A_225 : i32 to index
    %get3A_227 = arith.constant 0 : index
    %get3A_228 = vector.load %arg5[%get3A_226, %get3A_227] : memref<8192x32xf32, #tpu.memory_space<vmem>>, vector<1024x32xf32>
    %dot_general3A_229 = arith.constant dense<0.000000e+00> : vector<2048x1024xf32>
    %dot_general3A_230 = tpu.matmul %add3A_13, %get3A_228, %dot_general3A_229 {dimension_numbers = #tpu.dot_dimension_numbers<[1], [1], [0], [0], [0, 0, 1, 0], [], []>, transpose_lhs_hint = false} : vector<2048x32xf32>, vector<1024x32xf32>, vector<2048x1024xf32> -> vector<2048x1024xf32>
    %mul3A_231 = arith.constant 1024 : i32
    %mul3A_232 = arith.muli %add3A_223, %mul3A_231 : i32
    %get3A_233 = arith.constant 0 : index
    %get3A_234 = arith.index_cast %mul3A_232 : i32 to index
    %get3A_235 = vector.load %arg4[%get3A_233, %get3A_234] : memref<1x8192xf32, #tpu.memory_space<vmem>>, vector<1x1024xf32>
    %sub3A_236 = vector.broadcast %broadcast_in_dim3A : vector<2048x1xf32> to vector<2048x1024xf32>
    %sub3A_237 = arith.subf %sub3A_236, %dot_general3A_230 : vector<2048x1024xf32>
    %add3A_238 = vector.broadcast %get3A_235 : vector<1x1024xf32> to vector<2048x1024xf32>
    %add3A_239 = arith.addf %sub3A_237, %add3A_238 : vector<2048x1024xf32>
    %reduce_min3A_240 = arith.constant dense<0x7F800000> : vector<2048xf32>
    %reduce_min3A_241 = vector.multi_reduction <minimumf>, %add3A_239, %reduce_min3A_240 [1] : vector<2048x1024xf32> to vector<2048xf32>
    %broadcast_in_dim3A_242 = vector.shape_cast %reduce_min3A_241 : vector<2048xf32> to vector<2048x1xf32>
    %iota3A_243 = tpu.iota {dimensions = array<i32: 1>} : vector<1x1024xi32>
    %mul3A_244 = arith.constant 1024 : i32
    %mul3A_245 = arith.muli %add3A_223, %mul3A_244 : i32
    %add3A_246 = vector.broadcast %mul3A_245 : i32 to vector<1x1024xi32>
    %add3A_247 = arith.addi %iota3A_243, %add3A_246 : vector<1x1024xi32>
    %convert_element_type3A_248 = arith.sitofp %add3A_247 : vector<1x1024xi32> to vector<1x1024xf32>
    %eq3A_249 = vector.broadcast %broadcast_in_dim3A_242 : vector<2048x1xf32> to vector<2048x1024xf32>
    %eq3A_250 = arith.cmpf oeq, %add3A_239, %eq3A_249 : vector<2048x1024xf32>
    %jit3A_251 = arith.constant 1.000000e+09 : f32
    %broadcast_in_dim3A_252 = vector.shape_cast %convert_element_type3A_248 : vector<1x1024xf32> to vector<1x1024xf32>
    %broadcast_in_dim3A_253 = vector.broadcast %broadcast_in_dim3A_252 : vector<1x1024xf32> to vector<2048x1024xf32>
    %broadcast_in_dim3A_254 = vector.broadcast %jit3A_251 : f32 to vector<2048x1024xf32>
    %select_n3A_255 = arith.select %eq3A_250, %broadcast_in_dim3A_253, %broadcast_in_dim3A_254 : vector<2048x1024xi1>, vector<2048x1024xf32>
    %reduce_min3A_256 = arith.constant dense<0x7F800000> : vector<2048xf32>
    %reduce_min3A_257 = vector.multi_reduction <minimumf>, %select_n3A_255, %reduce_min3A_256 [1] : vector<2048x1024xf32> to vector<2048xf32>
    %broadcast_in_dim3A_258 = vector.shape_cast %reduce_min3A_257 : vector<2048xf32> to vector<2048x1xf32>
    %lt3A_259 = arith.cmpf olt, %broadcast_in_dim3A_242, %select_n3A_218 : vector<2048x1xf32>
    %select_n3A_260 = arith.select %lt3A_259, %broadcast_in_dim3A_242, %select_n3A_218 : vector<2048x1xi1>, vector<2048x1xf32>
    %select_n3A_261 = arith.select %lt3A_259, %broadcast_in_dim3A_258, %select_n3A_219 : vector<2048x1xi1>, vector<2048x1xf32>
    %mul3A_262 = arith.constant 8 : i32
    %mul3A_263 = arith.muli %scan3A, %mul3A_262 : i32
    %add3A_264 = arith.constant 6 : i32
    %add3A_265 = arith.addi %mul3A_263, %add3A_264 : i32
    %mul3A_266 = arith.constant 1024 : i32
    %mul3A_267 = arith.muli %add3A_265, %mul3A_266 : i32
    %get3A_268 = arith.index_cast %mul3A_267 : i32 to index
    %get3A_269 = arith.constant 0 : index
    %get3A_270 = vector.load %arg5[%get3A_268, %get3A_269] : memref<8192x32xf32, #tpu.memory_space<vmem>>, vector<1024x32xf32>
    %dot_general3A_271 = arith.constant dense<0.000000e+00> : vector<2048x1024xf32>
    %dot_general3A_272 = tpu.matmul %add3A_13, %get3A_270, %dot_general3A_271 {dimension_numbers = #tpu.dot_dimension_numbers<[1], [1], [0], [0], [0, 0, 1, 0], [], []>, transpose_lhs_hint = false} : vector<2048x32xf32>, vector<1024x32xf32>, vector<2048x1024xf32> -> vector<2048x1024xf32>
    %mul3A_273 = arith.constant 1024 : i32
    %mul3A_274 = arith.muli %add3A_265, %mul3A_273 : i32
    %get3A_275 = arith.constant 0 : index
    %get3A_276 = arith.index_cast %mul3A_274 : i32 to index
    %get3A_277 = vector.load %arg4[%get3A_275, %get3A_276] : memref<1x8192xf32, #tpu.memory_space<vmem>>, vector<1x1024xf32>
    %sub3A_278 = vector.broadcast %broadcast_in_dim3A : vector<2048x1xf32> to vector<2048x1024xf32>
    %sub3A_279 = arith.subf %sub3A_278, %dot_general3A_272 : vector<2048x1024xf32>
    %add3A_280 = vector.broadcast %get3A_277 : vector<1x1024xf32> to vector<2048x1024xf32>
    %add3A_281 = arith.addf %sub3A_279, %add3A_280 : vector<2048x1024xf32>
    %reduce_min3A_282 = arith.constant dense<0x7F800000> : vector<2048xf32>
    %reduce_min3A_283 = vector.multi_reduction <minimumf>, %add3A_281, %reduce_min3A_282 [1] : vector<2048x1024xf32> to vector<2048xf32>
    %broadcast_in_dim3A_284 = vector.shape_cast %reduce_min3A_283 : vector<2048xf32> to vector<2048x1xf32>
    %iota3A_285 = tpu.iota {dimensions = array<i32: 1>} : vector<1x1024xi32>
    %mul3A_286 = arith.constant 1024 : i32
    %mul3A_287 = arith.muli %add3A_265, %mul3A_286 : i32
    %add3A_288 = vector.broadcast %mul3A_287 : i32 to vector<1x1024xi32>
    %add3A_289 = arith.addi %iota3A_285, %add3A_288 : vector<1x1024xi32>
    %convert_element_type3A_290 = arith.sitofp %add3A_289 : vector<1x1024xi32> to vector<1x1024xf32>
    %eq3A_291 = vector.broadcast %broadcast_in_dim3A_284 : vector<2048x1xf32> to vector<2048x1024xf32>
    %eq3A_292 = arith.cmpf oeq, %add3A_281, %eq3A_291 : vector<2048x1024xf32>
    %jit3A_293 = arith.constant 1.000000e+09 : f32
    %broadcast_in_dim3A_294 = vector.shape_cast %convert_element_type3A_290 : vector<1x1024xf32> to vector<1x1024xf32>
    %broadcast_in_dim3A_295 = vector.broadcast %broadcast_in_dim3A_294 : vector<1x1024xf32> to vector<2048x1024xf32>
    %broadcast_in_dim3A_296 = vector.broadcast %jit3A_293 : f32 to vector<2048x1024xf32>
    %select_n3A_297 = arith.select %eq3A_292, %broadcast_in_dim3A_295, %broadcast_in_dim3A_296 : vector<2048x1024xi1>, vector<2048x1024xf32>
    %reduce_min3A_298 = arith.constant dense<0x7F800000> : vector<2048xf32>
    %reduce_min3A_299 = vector.multi_reduction <minimumf>, %select_n3A_297, %reduce_min3A_298 [1] : vector<2048x1024xf32> to vector<2048xf32>
    %broadcast_in_dim3A_300 = vector.shape_cast %reduce_min3A_299 : vector<2048xf32> to vector<2048x1xf32>
    %lt3A_301 = arith.cmpf olt, %broadcast_in_dim3A_284, %select_n3A_260 : vector<2048x1xf32>
    %select_n3A_302 = arith.select %lt3A_301, %broadcast_in_dim3A_284, %select_n3A_260 : vector<2048x1xi1>, vector<2048x1xf32>
    %select_n3A_303 = arith.select %lt3A_301, %broadcast_in_dim3A_300, %select_n3A_261 : vector<2048x1xi1>, vector<2048x1xf32>
    %mul3A_304 = arith.constant 8 : i32
    %mul3A_305 = arith.muli %scan3A, %mul3A_304 : i32
    %add3A_306 = arith.constant 7 : i32
    %add3A_307 = arith.addi %mul3A_305, %add3A_306 : i32
    %mul3A_308 = arith.constant 1024 : i32
    %mul3A_309 = arith.muli %add3A_307, %mul3A_308 : i32
    %get3A_310 = arith.index_cast %mul3A_309 : i32 to index
    %get3A_311 = arith.constant 0 : index
    %get3A_312 = vector.load %arg5[%get3A_310, %get3A_311] : memref<8192x32xf32, #tpu.memory_space<vmem>>, vector<1024x32xf32>
    %dot_general3A_313 = arith.constant dense<0.000000e+00> : vector<2048x1024xf32>
    %dot_general3A_314 = tpu.matmul %add3A_13, %get3A_312, %dot_general3A_313 {dimension_numbers = #tpu.dot_dimension_numbers<[1], [1], [0], [0], [0, 0, 1, 0], [], []>, transpose_lhs_hint = false} : vector<2048x32xf32>, vector<1024x32xf32>, vector<2048x1024xf32> -> vector<2048x1024xf32>
    %mul3A_315 = arith.constant 1024 : i32
    %mul3A_316 = arith.muli %add3A_307, %mul3A_315 : i32
    %get3A_317 = arith.constant 0 : index
    %get3A_318 = arith.index_cast %mul3A_316 : i32 to index
    %get3A_319 = vector.load %arg4[%get3A_317, %get3A_318] : memref<1x8192xf32, #tpu.memory_space<vmem>>, vector<1x1024xf32>
    %sub3A_320 = vector.broadcast %broadcast_in_dim3A : vector<2048x1xf32> to vector<2048x1024xf32>
    %sub3A_321 = arith.subf %sub3A_320, %dot_general3A_314 : vector<2048x1024xf32>
    %add3A_322 = vector.broadcast %get3A_319 : vector<1x1024xf32> to vector<2048x1024xf32>
    %add3A_323 = arith.addf %sub3A_321, %add3A_322 : vector<2048x1024xf32>
    %reduce_min3A_324 = arith.constant dense<0x7F800000> : vector<2048xf32>
    %reduce_min3A_325 = vector.multi_reduction <minimumf>, %add3A_323, %reduce_min3A_324 [1] : vector<2048x1024xf32> to vector<2048xf32>
    %broadcast_in_dim3A_326 = vector.shape_cast %reduce_min3A_325 : vector<2048xf32> to vector<2048x1xf32>
    %iota3A_327 = tpu.iota {dimensions = array<i32: 1>} : vector<1x1024xi32>
    %mul3A_328 = arith.constant 1024 : i32
    %mul3A_329 = arith.muli %add3A_307, %mul3A_328 : i32
    %add3A_330 = vector.broadcast %mul3A_329 : i32 to vector<1x1024xi32>
    %add3A_331 = arith.addi %iota3A_327, %add3A_330 : vector<1x1024xi32>
    %convert_element_type3A_332 = arith.sitofp %add3A_331 : vector<1x1024xi32> to vector<1x1024xf32>
    %eq3A_333 = vector.broadcast %broadcast_in_dim3A_326 : vector<2048x1xf32> to vector<2048x1024xf32>
    %eq3A_334 = arith.cmpf oeq, %add3A_323, %eq3A_333 : vector<2048x1024xf32>
    %jit3A_335 = arith.constant 1.000000e+09 : f32
    %broadcast_in_dim3A_336 = vector.shape_cast %convert_element_type3A_332 : vector<1x1024xf32> to vector<1x1024xf32>
    %broadcast_in_dim3A_337 = vector.broadcast %broadcast_in_dim3A_336 : vector<1x1024xf32> to vector<2048x1024xf32>
    %broadcast_in_dim3A_338 = vector.broadcast %jit3A_335 : f32 to vector<2048x1024xf32>
    %select_n3A_339 = arith.select %eq3A_334, %broadcast_in_dim3A_337, %broadcast_in_dim3A_338 : vector<2048x1024xi1>, vector<2048x1024xf32>
    %reduce_min3A_340 = arith.constant dense<0x7F800000> : vector<2048xf32>
    %reduce_min3A_341 = vector.multi_reduction <minimumf>, %select_n3A_339, %reduce_min3A_340 [1] : vector<2048x1024xf32> to vector<2048xf32>
    %broadcast_in_dim3A_342 = vector.shape_cast %reduce_min3A_341 : vector<2048xf32> to vector<2048x1xf32>
    %lt3A_343 = arith.cmpf olt, %broadcast_in_dim3A_326, %select_n3A_302 : vector<2048x1xf32>
    %select_n3A_344 = arith.select %lt3A_343, %broadcast_in_dim3A_326, %select_n3A_302 : vector<2048x1xi1>, vector<2048x1xf32>
    %select_n3A_345 = arith.select %lt3A_343, %broadcast_in_dim3A_342, %select_n3A_303 : vector<2048x1xi1>, vector<2048x1xf32>
    %scan3A_346 = arith.constant 1 : i32
    %convert_element_type3A_347 = arith.fptosi %select_n3A_345 : vector<2048x1xf32> to vector<2048x1xi32>
    %swap3A_348 = arith.constant 0 : index
    %swap3A_349 = arith.constant 0 : index
    %swap3A_350 = vector.load %arg7[%swap3A_348, %swap3A_349] : memref<2048x1xi32, #tpu.memory_space<vmem>>, vector<2048x1xi32>
    tpu.vector_store %arg7[%swap3A_348, %swap3A_349], %convert_element_type3A_347 {strides = array<i32>} : memref<2048x1xi32, #tpu.memory_space<vmem>>, vector<2048x1xi32>,
    return
  }
  func.func @transform_0(%arg0: i32) -> (i32, i32) {
    %c0_i32 = arith.constant 0 : i32
    %c0_i32_0 = arith.constant 0 : i32
    return %arg0, %c0_i32 : i32, i32
  }
  func.func @transform_1(%arg0: i32) -> (i32, i32) {
    %c0_i32 = arith.constant 0 : i32
    %c0_i32_0 = arith.constant 0 : i32
    %c0_i32_1 = arith.constant 0 : i32
    return %c0_i32, %c0_i32_0 : i32, i32
  }
  func.func @transform_2(%arg0: i32) -> (i32, i32) {
    %c0_i32 = arith.constant 0 : i32
    %c0_i32_0 = arith.constant 0 : i32
    %c0_i32_1 = arith.constant 0 : i32
    return %c0_i32, %c0_i32_0 : i32, i32
  }
  func.func @transform_3(%arg0: i32) -> (i32, i32) {
    %c0_i32 = arith.constant 0 : i32
    %c0_i32_0 = arith.constant 0 : i32
    %c0_i32_1 = arith.constant 0 : i32
    return %c0_i32, %c0_i32_0 : i32, i32
  }
  func.func @transform_4(%arg0: i32) -> (i32, i32) {
    %c0_i32 = arith.constant 0 : i32
    %c0_i32_0 = arith.constant 0 : i32
    %c0_i32_1 = arith.constant 0 : i32
    return %c0_i32, %c0_i32_0 : i32, i32
  }
  func.func @transform_5(%arg0: i32) -> (i32, i32) {
    %c0_i32 = arith.constant 0 : i32
    %c0_i32_0 = arith.constant 0 : i32
    return %arg0, %c0_i32 : i32, i32
  }
  func.func @transform_6(%arg0: i32) -> (i32, i32) {
    %c0_i32 = arith.constant 0 : i32
    %c0_i32_0 = arith.constant 0 : i32
    return %arg0, %c0_i32 : i32, i32
  }
}

</mosaic_0001>

<sc_bundles>
// kernel: kernel.4.cloned.1.call-start
scs
__scs_entry_jumppad:
0x0: {  	(pc) =	sbr.rel $0x88, $3  }
0x1: {  	(tag) =	ssettag $0x0;
	lr =	simm.s32 $0x1  }
0x2: {  	[smem:$0x3F9D] =	sst lr;
	_ =	strace $0xD0000000  }
0x3: {  	_ = 	snop  }
0x4: {  	_ = 	snop  }
0x5: {  	_ = 	snop  }
0x6: {  	_ = 	snop  }
0x7: {  	_ = 	snop  }
__scs_overlays_trampoline_lowered:
0x8: {  	[smem:$0x3FAC] =	sst s0  }
0x9: {  	[smem:$0x3FAD] =	sst s1  }
0xa: {  	[smem:$0x3FAE] =	sst s2  }
0xb: {  	[smem:$0x3FAF] =	sst s3  }
0xc: {  	[smem:$0x3FB0] =	sst s4  }
0xd: {  	[smem:$0x3FB1] =	sst s5  }
0xe: {  	[smem:$0x3FB2] =	sst s6  }
0xf: {  	[smem:$0x3FB3] =	sst s7  }
0x10: {  	[smem:$0x3FB4] =	sst s8  }
0x11: {  	[smem:$0x3FB5] =	sst s9;
	s0 =	simm.s32 @!p0 $0x0  }
0x12: {  	s1 =	sld [smem:$0x3F9B];
	s0 =	simm.s32 @p0 $0x1  }
0x13: {  	[smem:$0x3FB6] =	sst s0;
	s0 =	simm.s32 @!p1 $0x0  }
0x14: {  	s2 =	sld [smem:$0x3F9A];
	s0 =	simm.s32 @p1 $0x1  }
0x15: {  	[smem:$0x3FB7] =	sst s0;
	s0 =	simm.s32 @!p2 $0x0  }
0x16: {  	s3 =	sld [smem:$0x3FDB];
	s0 =	simm.s32 @p2 $0x1  }
0x17: {  	s4 =	simm.s32 $0x1BF5;
	[smem:$0x3FB9] =	sst s0  }
0x18: {  	s0 =	sld [smem:$0x3F9C];
	_ =	swait.ge [sflag:s4], $0x0  }
0x19: {  	s7 =	sld [smem:$0x3F9D]  }
0x1a: {  	s8 =	sadd.s32 $0xFFFFE003, lr  }
0x1b: {  	s9 =	sadd.s32 $0xFFFFFEF7, lr;
	s5 =	simm.s32 $0xFFFFFFFF;
	p2 =	slt.u32 s8, $0xFFFFF086  }
0x1c: {  	p1 =	slt.u32 s9, $0xF7A;
	s5 =	simm.s32 @!p2 $0x0  }
0x1d: {  	s5 =	simm.s32 @p1 $0x1;
	p0 =	seq.s32 s7, s2  }
0x1e: {  	s7 =	smul.u32 @!p0 $0xF7A, s2;
	p2 =	seq.s32 @!p0 s5, $0x0  }
0x1f: {  	s9 =	smul.u32 $0xF7A, s1;
	s8 =	simm.s32 @!p0 $0x1BF5;
	p2 =	por !p2, p0  }
0x20: {  	[sflag:s8] =	ssyncset.s32 @!p0 $0xFFFFF086;
	s6 =	sadd.s32 @!p0 s3, s7;
	s7 =	simm.s32 @!p0 $0x108  }
0x21: {  	s3 =	sadd.s32 s3, s9;
	s6 =	sadd.s32 @!p0 $0x88, s6;
	s7 =	simm.s32 @p2 $0x1082  }
0x22: {  	[simem:s7], [sflag:s8] =	dma.local @!p0 [hbm:s6], $0xF7A  }
0x23: {  	s9 =	sor.u32 $0xD0000000, s2;
	s6 =	simm.s32 $0x108;
	_ =	swait.ge @!p0 [sflag:s8], $0x0  }
0x24: {  	s3 =	sadd.s32 $0x88, s3;
	s6 =	simm.s32 @!p1 $0x1082;
	[sflag:s4] =	ssyncset.s32 $0xFFFFF086  }
0x25: {  	[simem:s6], [sflag:s4] =	dma.local [hbm:s3], $0xF7A  }
0x26: {  	[smem:$0x3F9D] =	sst s1;
	(tag) =	ssettag s2;
	_ =	strace s9  }
0x27: {  	s1 =	sld [smem:$0x3FAD]  }
0x28: {  	s2 =	sld [smem:$0x3FAE]  }
0x29: {  	s4 =	sld [smem:$0x3FB0]  }
0x2a: {  	p0 =	seq.s32 s5, $0x0;
	s5 =	sld [smem:$0x3FB1]  }
0x2b: {  	s6 =	sld [smem:$0x3FB2]  }
0x2c: {  	s7 =	sld [smem:$0x3FB3]  }
0x2d: {  	s3 =	simm.s32 $0x108;
	s8 =	sld [smem:$0x3FB4]  }
0x2e: {  	s3 =	simm.s32 @!p0 $0x1082;
	s9 =	sld [smem:$0x3FB5]  }
0x2f: {  	lr =	sadd.s32 s0, s3;
	s0 =	sld [smem:$0x3FAC]  }
0x30: {  	s3 =	sld [smem:$0x3FAF]  }
0x31: {  	[smem:$0x3FB8] =	sst s10  }
0x32: {  	s10 =	sld [smem:$0x3FB6];
	_ =	sdelay $0x3  }
0x33: {  	p0 =	seq.s32 s10, $0x1;
	s10 =	sld [smem:$0x3FB8];
	_ =	sdelay $0x3  }
0x34: {  	[smem:$0x3FB8] =	sst s10  }
0x35: {  	s10 =	sld [smem:$0x3FB7];
	_ =	sdelay $0x3  }
0x36: {  	p1 =	seq.s32 s10, $0x1;
	s10 =	sld [smem:$0x3FB8];
	_ =	sdelay $0x3  }
0x37: {  	[smem:$0x3FB8] =	sst s10  }
0x38: {  	s10 =	sld [smem:$0x3FB9]  }
0x39: {  	_ = 	snop;
	(pc) =	sbr.ind lr, $3  }
0x3a: {  	_ = 	snop  }
0x3b: {  	_ = 	snop  }
0x3c: {  	p2 =	seq.s32 s10, $0x1;
	s10 =	sld [smem:$0x3FB8]  }
0x3d: {  	_ =	shalt  }
0x3e: {  	_ =	shalt  }
0x3f: {  	_ =	shalt  }
0x40: {  	_ =	shalt  }
0x41: {  	_ =	shalt  }
0x42: {  	_ =	shalt  }
0x43: {  	_ =	shalt  }
0x44: {  	_ =	shalt  }
0x45: {  	_ =	shalt  }
0x46: {  	_ =	shalt  }
0x47: {  	_ =	shalt  }
0x48: {  	_ =	shalt  }
0x49: {  	_ =	shalt  }
0x4a: {  	_ =	shalt  }
0x4b: {  	_ =	shalt  }
0x4c: {  	_ =	shalt  }
0x4d: {  	_ =	shalt  }
0x4e: {  	_ =	shalt  }
0x4f: {  	_ =	shalt  }
0x50: {  	_ =	shalt  }
0x51: {  	_ =	shalt  }
0x52: {  	_ =	shalt  }
0x53: {  	_ =	shalt  }
0x54: {  	_ =	shalt  }
0x55: {  	_ =	shalt  }
0x56: {  	_ =	shalt  }
0x57: {  	_ =	shalt  }
0x58: {  	_ =	shalt  }
0x59: {  	_ =	shalt  }
0x5a: {  	_ =	shalt  }
0x5b: {  	_ =	shalt  }
0x5c: {  	_ =	shalt  }
0x5d: {  	_ =	shalt  }
0x5e: {  	_ =	shalt  }
0x5f: {  	_ =	shalt  }
0x60: {  	_ =	shalt  }
0x61: {  	_ =	shalt  }
0x62: {  	_ =	shalt  }
0x63: {  	_ =	shalt  }
0x64: {  	_ =	shalt  }
0x65: {  	_ =	shalt  }
0x66: {  	_ =	shalt  }
0x67: {  	_ =	shalt  }
0x68: {  	_ =	shalt  }
0x69: {  	_ =	shalt  }
0x6a: {  	_ =	shalt  }
0x6b: {  	_ =	shalt  }
0x6c: {  	_ =	shalt  }
0x6d: {  	_ =	shalt  }
0x6e: {  	_ =	shalt  }
0x6f: {  	_ =	shalt  }
0x70: {  	_ =	shalt  }
0x71: {  	_ =	shalt  }
0x72: {  	_ =	shalt  }
0x73: {  	_ =	shalt  }
0x74: {  	_ =	shalt  }
0x75: {  	_ =	shalt  }
0x76: {  	_ =	shalt  }
0x77: {  	_ =	shalt  }
0x78: {  	_ =	shalt  }
0x79: {  	_ =	shalt  }
0x7a: {  	_ =	shalt  }
0x7b: {  	_ =	shalt  }
0x7c: {  	_ =	shalt  }
0x7d: {  	_ =	shalt  }
0x7e: {  	_ =	shalt  }
0x7f: {  	_ =	shalt  }
0x80: {  	_ =	shalt  }
0x81: {  	_ =	shalt  }
0x82: {  	_ =	shalt  }
0x83: {  	_ =	shalt  }
0x84: {  	_ =	shalt  }
0x85: {  	_ =	shalt  }
0x86: {  	_ =	shalt  }
0x87: {  	_ =	shalt  }
.Lfunc_end0:
.L_simem_size_0:
called_computation_lowered:
.L_overlay_start_0:
0x88: {  	s2 =	sld [smem:$0x3FD9]  }
0x89: {  	s3 =	sld [smem:$0x3FFE];
	_ =	sdelay $0x1  }
0x8a: {  	s1 =	srdreg.scid  }
0x8b: {  	s0 =	sand.u32 $0x1, s1  }
0x8c: {  	s14 =	sshll.u32 s0, $0xA;
	s2 =	sadd.s32 s3, s2  }
0x8d: {  	s2 =	sadd.s32 s2, s14  }
0x8e: {  	[smem:$0x3FC4] =	sst s2  }
0x8f: {  	_ = 	snop  }
0x90: {  	s2 =	sld [smem:$0x3FD0];
	_ =	sdelay $0x2  }
0x91: {  	s15 =	simm.s32 $0xA;
	s4 =	simm.s32 $0x10  }
0x92: {  	[smem:s4], [sflag:s15] =	dma.local [hbm:s2], $0x1  }
0x93: {  	_ =	swait.eq [sflag:s15], $0x1  }
0x94: {  	[sflag:s15] =	ssyncset.done $0x0  }
0x95: {  	[sflag:s15] =	ssyncadd.s32 $0xFFFFFFFF  }
0x96: {  	s16 =	sld [smem:$0x10];
	(tm) =	ssettm $0x1  }
0x97: {  	s17 =	sld [smem:$0x3FFB];
	_ =	sdelay $0x3  }
0x98: {  	_ =	strace s17  }
0x99: {  	s3 =	sld [smem:$0x3FFC];
	_ =	sdelay $0x3  }
0x9a: {  	_ =	strace s3  }
0x9b: {  	s3 =	sld [smem:$0x3FFD];
	_ =	sdelay $0x3  }
0x9c: {  	_ =	strace s3  }
0x9d: {  	_ =	strace $0x8FFFFFFF  }
0x9e: {  	s18 =	sld [smem:$0x3FDB];
	_ =	sdelay $0x1  }
0x9f: {  	s19 =	simm.s32 $_scs_section_size  }
0xa0: {  	s5 =	simm.s32 $_size__tile_overlayer_lowered;
	s6 =	simm.s32 $_tile_overlayer_lowered  }
0xa1: {  	s22 =	simm.s32 $0x1BFF;
	s21 =	sshll.u32 s6, $0x1;
	s3 =	sadd.s32 s19, s18  }
0xa2: {  	s7 =	simm.s32 $0x0;
	s20 =	sshll.u32 s5, $0x1;
	s5 =	sadd.s32 s21, s3  }
0xa3: {  	[timem:s7], [sflag:s22] =	dma.local [hbm:s5], s20  }
0xa4: {  	_ =	swait.ge [sflag:s22], s20  }
0xa5: {  	s4 =	ssub.s32 $0x0, s20;
	[sflag:s22] =	ssyncset.done $0x0  }
0xa6: {  	[sflag:s22] =	ssyncadd.s32 s4;
	_ =	sdelay $0x1  }
0xa7: {  	s23 =	simm.s32 $0x1B8B  }
0xa8: {  	_ =	swait.ge [sflag:s23], $0x1  }
0xa9: {  	[sflag:s23] =	ssyncset.done $0x0  }
0xaa: {  	s25 =	simm.s32 $0x1B8E;
	s24 =	sld [smem:$0x3FFE];
	[sflag:s23] =	ssyncadd.s32 $0xFFFFFFFF  }
0xab: {  	s26 =	simm.s32 $execute0_lowered;
	[smem:$0x3FD2] =	sst s25  }
0xac: {  	s5 =	sshll.u32 s26, $0x1;
	_ =	strace $0x80000046;
	[dreg:$0x1] =	wrdreg $0xFFFFFFFF  }
0xad: {  	s28 =	simm.s32 $_size_execute0_lowered;
	s3 =	sadd.s32 s3, s5;
	[dreg:$0x0] =	wrdreg $0x0  }
0xae: {  	s5 =	sshll.u32 s28, $0x1;
	[dreg:$0x2] =	wrdreg s3  }
0xaf: {  	[dreg:$0x3] =	wrdreg s5  }
0xb0: {  	[dreg:$0x4] =	wrdreg $0xC0  }
0xb1: {  	_ =	task [dreg:s7], $0x5FFFF  }
0xb2: {  	[dreg:$0x1] =	wrdreg $0xFFFFFFFF  }
0xb3: {  	[dreg:$0x0] =	wrdreg $0x60  }
0xb4: {  	[dreg:$0x2] =	wrdreg s24  }
0xb5: {  	[dreg:$0x3] =	wrdreg s16  }
0xb6: {  	[dreg:$0x4] =	wrdreg $0x9  }
0xb7: {  	_ =	task.clear_ibuf [dreg:s7], $0x5FFFF;
	_ =	strace $0x90000046  }
0xb8: {  	s29 =	simm.s32 $0x9;
	_ =	strace $0x80000048  }
0xb9: {  	_ =	swait.ge [sflag:s29], $0x1  }
0xba: {  	[sflag:s29] =	ssyncadd.s32 $0xFFFFFFFF  }
0xbb: {  	_ =	strace $0x90000048  }
0xbc: {  	_ =	sfence  }
0xbd: {  	s30 =	sld [smem:$0x0];
	_ =	sdelay $0x2  }
0xbe: {  	s31 =	sshll.u32 s1, $0xD;
	s1 =	sshrl.u32 s1, $0x2  }
0xbf: {  	s3 =	sand.u32 $0x4000, s31;
	s1 =	sadd.s32 s1, s30  }
0xc0: {  	s0 =	sor.u32 s3, s0;
	s1 =	sshll.u32 s1, $0x11  }
0xc1: {  	s0 =	sor.u32 s1, s0  }
0xc2: {  	s0 =	sadd.s32 $0x8F2B, s0  }
0xc3: {  	[sflag:s0] =	ssyncadd.remote.s32 $0x1  }
0xc4: {  	_ =	sfence.sel $0xFFFF  }
0xc5: {  	[dreg:$0x0] =	wrdreg $0xFFFFFFFF;
	(pc) =	sbr.abs _section_cstart, $3  }
0xc6: {  	[dreg:$0x1] =	wrdreg $0xFFFFFFFF  }
0xc7: {  	_ =	task.clear_ibuf [dreg:s7], $0x2FFFF;
	_ =	strace $0x9FFFFFFF  }
0xc8: {  	(tm) =	ssettm $0x7FFFFFFF  }
0xc9: {  	_ =	shalt  }
tec
execute0_lowered:
.L_overlay_start_1:
0x0: {  	(tag) =	ssettag $0x1  }
0x1: {  	s4 =	rddreg [dreg:$0x0]  }
0x2: {  	s6 =	rddreg [dreg:$0x1]  }
0x3: {  	s0 =	rddreg [dreg:$0x2]  }
0x4: {  	s3 =	srdreg.scid;
	s1 =	stileid.u32;
	s2 =	simm.s32 $0x0  }
0x5: {  	s12 =	simm.s32 $0x8100;
	s13 =	simm.s32 $0x10100;
	s14 =	simm.s32 $0x18100  }
0x6: {  	s15 =	simm.s32 $0x0;
	s5 =	sand.u32 $0x1, s3;
	s31 =	sshll.u32 s1, $0x1  }
0x7: {  	[smem:$0x7FF] =	sst s2;
	s3 =	sadd.s32 $0x600, s4;
	s7 =	sor.u32 s5, s31  }
0x8: {  	_ =	strace $0x80000047;
	s5 =	ssub.s32 $0x2, s5;
	s8 =	sshll.u32 s7, $0x5  }
0x9: {  	s9 =	sshll.u32 s7, $0xC;
	s7 =	sshll.u32 s7, $0x4;
	s10 =	sshrl.u32 s5, $0x1  }
0xa: {  	s8 =	sadd.s32 s8, s4;
	s11 =	sadd.s32 s9, s4;
	s7 =	sadd.s32 s7, s4  }
0xb: {  	s10 =	ssub.s32 s5, s10;
	s6 =	sadd.s32 s6, s9;
	s9 =	simm.s32 $0x2  }
0xc: {  	s4 =	sadd.s32 $0x40600, s8;
	s5 =	sadd.s32 $0x20600, s11;
	s7 =	sadd.s32 $0x40A00, s7  }
0xd: {  	s8 =	smax.u32 s10, $0x1;
	s10 =	simm.s32 $0x100;
	s11 =	simm.s32 $0x1  }
.LBB2_1:
0xe: {  	[tilespmem:s2], [sflag:$0x2] =	stream.linear.gather [hbm4b:s4+s2], $0x100, $0x38;
	[tilespmem:$0x18180] =	vst v63  }
0xf: {  	_ =	swait.ge [sflag:s9], $0x100  }
0x10: {  	[sflag:s9] =	ssyncset.done $0x0  }
0x11: {  	[sflag:s9] =	ssyncadd.s32 $0xFFFFFF00  }
0x12: {  	[tilespmem:s10], [sflag:$0x1] =	stream.indirect.gather [hbm4b:s3+s10], $0x80, s2, s10, $0xb8;
	[tilespmem:$0x18180] =	vst v63  }
0x13: {  	_ =	swait.ge [sflag:s11], $0x8000  }
0x14: {  	[sflag:s11] =	ssyncset.done $0x0  }
0x15: {  	[sflag:s11] =	ssyncadd.s32 $0xFFFF8000  }
0x16: {  	[tilespmem:s12], [sflag:$0x2] =	stream.linear.gather [hbm4b:s5+s2], $0x8000, $0x38;
	[tilespmem:$0x18180] =	vst v63  }
0x17: {  	_ =	swait.ge [sflag:s9], $0x8000  }
0x18: {  	[sflag:s9] =	ssyncset.done $0x0  }
0x19: {  	s17 =	simm.s32 $0x0;
	[sflag:s9] =	ssyncadd.s32 $0xFFFF8000  }
0x1a: {  	v0 =	vld [tilespmem:s17+$0x100]  }
0x1b: {  	v3 =	vld [tilespmem:s17+$0x8100]  }
0x1c: {  	v4 =	vld [tilespmem:s17+$0x110]  }
0x1d: {  	v6 =	vld [tilespmem:s17+$0x8110];
	_ =	sdelay $0x1  }
0x1e: {  	s16 =	simm.s32 $0x80  }
0x1f: {  	v1 =	vld [tilespmem:s16+$0x100];
	v5 =	vsub.f32 v0, v3  }
0x20: {  	v0 =	vld [tilespmem:s16+$0x8100]  }
0x21: {  	v2 =	vld [tilespmem:s16+$0x110];
	v8 =	vsub.f32 v4, v6;
	v7 =	vadd.f32 v5, v3;
	v5 =	vmul.f32 v5, v5  }
0x22: {  	v4 =	vimm.f32 $0.0e+00;
	v3 =	vld [tilespmem:s16+$0x8110]  }
0x23: {  	s18 =	simm.s32 $0x400;
	[tilespmem:s17+$0x10100] =	vst v7;
	v5 =	vadd.f32 v5, v4;
	v4 =	vadd.f32 v8, v6;
	v6 =	vmul.f32 v8, v8  }
.LBB2_2:
0x24: {  	s19 =	sshra.s32 s18, $0x2;
	p0 =	sne.s32 s18, $0x1FE00  }
.Ltmp0:
0x25: {  	s18 =	sadd.s32 $0x200, s18;
	v7 =	vsub.f32 v1, v0;
	v1 =	vld [tilespmem:s19+$0x100];
	[tilespmem:s17+$0x10110] =	vst v4;
	v4 =	vadd.f32 v6, v5;
	v5 =	vmov v0;
	(pc) =	sbr.rel @p0 .LBB2_2-.Ltmp0, $4  }
0x26: {  	s17 =	smov.u32 s16;
	s16 =	smov.u32 s19;
	v0 =	vld [tilespmem:s19+$0x8100]  }
0x27: {  	v5 =	vadd.f32 v7, v5;
	v6 =	vmul.f32 v7, v7;
	v7 =	vsub.f32 v2, v3;
	v2 =	vld [tilespmem:s16+$0x110];
	v8 =	vmovc v3  }
0x28: {  	v3 =	vld [tilespmem:s16+$0x8110]  }
0x29: {  	[tilespmem:s17+$0x10100] =	vst v5;
	v5 =	vadd.f32 v6, v4;
	v4 =	vadd.f32 v7, v8;
	v6 =	vmul.f32 v7, v7  }
0x2a: {  	_ = 	snop  }
0x2b: {  	v1 =	vsub.f32 v1, v0;
	_ =	sdelay $0x1  }
0x2c: {  	v5 =	vadd.f32 v6, v5;
	v60 =	vmul.f32 v1, v1;
	v2 =	vsub.f32 v2, v3;
	_ =	sdelay $0x1  }
0x2d: {  	v0 =	vadd.f32 v1, v0;
	v61 =	vadd.f32 v60, v5;
	v62 =	vmul.f32 v2, v2  }
0x2e: {  	[tilespmem:s17+$0x10110] =	vst v4;
	v2 =	vadd.f32 v2, v3  }
0x2f: {  	[tilespmem:s16+$0x10100] =	vst v0;
	v63 =	vadd.f32 v62, v61  }
0x30: {  	[tilespmem:s16+$0x10110] =	vst v2  }
0x31: {  	[tilespmem:$0x18100] =	vst v63  }
0x32: {  	[hbm4b:s6+s2] =	stream.linear.scatter [tilespmem:s13], [sflag:$0x2], $0x8000, $0x38;
	[tilespmem:$0x18180] =	vst v63  }
0x33: {  	s15 =	sadd.s32 $0x1, s15;
	_ =	swait.ge [sflag:s9], $0x8000  }
0x34: {  	p0 =	sne.s32 s15, s8;
	[sflag:s9] =	ssyncset.done $0x0  }
.Ltmp1:
0x35: {  	[sflag:s9] =	ssyncadd.s32 $0xFFFF8000;
	(pc) =	sbr.rel @p0 .LBB2_1-.Ltmp1, $4  }
0x36: {  	[hbm4b:s7+s2] =	stream.linear.scatter [tilespmem:s14], [sflag:$0x2], $0x80, $0x38;
	[tilespmem:$0x18180] =	vst v63  }
0x37: {  	_ =	swait.ge [sflag:s9], $0x80  }
0x38: {  	[sflag:s9] =	ssyncset.done $0x0  }
0x39: {  	[sflag:s9] =	ssyncadd.s32 $0xFFFFFF80  }
0x3a: {  	_ =	sfence.sel $0x180000  }
0x3b: {  	[bflag:$0x0] =	sbarrier.arrive $0xFFFF  }
0x3c: {  	p0 =	sne.s32 s1, $0x0;
	_ =	strace $0x90000047  }
0x3d: {  	s0 =	sadd.s32 @!p0 $0x100000, s0;
	[bflag:$0x2] =	sbarrier.arrive $0xFFFF  }
0x3e: {  	[sflag:s0] =	ssyncadd.tile.s32 @!p0 $0x1;
	_ =	shalt  }
.Lfunc_end2:
_tile_overlayer_lowered:
.L_overlay_start_2:
0x3f: {  	(tag) =	ssettag $0x2  }
0x40: {  	s0 =	rddreg [dreg:$0x0];
	s2 =	stileid.u32  }
0x41: {  	s1 =	rddreg [dreg:$0x1];
	p0 =	sne.s32 s2, $0x0  }
0x42: {  	s3 =	rddreg [dreg:$0x2];
	[bflag:$0x3] =	sbarrier.arrive $0xFFFF;
	s2 =	simm.s32 @!p0 $0x1C02  }
0x43: {  	[timem:s3], [sflag:s2] =	dma.local @!p0 [hbm:s0], s1  }
0x44: {  	s0 =	simm.s32 @!p0 $0x2  }
0x45: {  	_ =	swait.ge @!p0 [sflag:s0], s1  }
0x46: {  	s1 =	ssub.s32 @!p0 $0x0, s1;
	[sflag:s0] =	ssyncset.done @!p0 $0x0  }
0x47: {  	[sflag:s0] =	ssyncadd.s32 @!p0 s1  }
0x48: {  	[bflag:$0x3] =	sbarrier.arrive $0xFFFF  }
0x49: {  	_ =	shalt  }

</sc_bundles>
